<compile_context>
chip_gen: v7x
topology: tpu7x:2x2x1
jax: 0.10.2.dev20260603
libtpu: 0.0.44.dev20260713+nightly
codegen_flags: <defaults>
</compile_context>

<pallas_src>
import functools

import jax
import jax.numpy as jnp
from jax import lax
from jax.experimental import pallas as pl
from jax.experimental.pallas import tpu as pltpu
from jax.experimental.pallas import tpu_sc as plsc


def _make_sc_gather(num_rows, row_w, batch):
    try:
        info = plsc.get_sparse_core_info()
        n_cores, n_subcores = info.num_cores, info.num_subcores
    except Exception:
        n_cores, n_subcores = 2, 16
    n_workers = n_cores * n_subcores
    assert batch % (8 * n_workers) == 0
    b_per_w = batch // n_workers
    mesh = plsc.VectorSubcoreMesh(core_axis_name="c", subcore_axis_name="s")

    @functools.partial(
        pl.kernel,
        mesh=mesh,
        out_type=jax.ShapeDtypeStruct((batch, row_w), jnp.float32),
        scratch_types=[
            pltpu.VMEM((b_per_w,), jnp.int32),
            pltpu.VMEM((b_per_w, row_w), jnp.float32),
            pltpu.SemaphoreType.DMA,
        ],
    )
    def gather_kernel(table_hbm, idx_hbm, out_hbm, idx_v, rows_v, sem):
        wid = lax.axis_index("s") * n_cores + lax.axis_index("c")
        base = wid * b_per_w
        pltpu.sync_copy(idx_hbm.at[pl.ds(base, b_per_w)], idx_v)
        pltpu.async_copy(table_hbm.at[idx_v], rows_v, sem).wait()
        pltpu.sync_copy(rows_v, out_hbm.at[pl.ds(base, b_per_w)])

    return gather_kernel


def _dep_kernel(ev, q_base, q_t, n_q, t_steps):
    q_block = 1024
    n_chunks = ev.shape[0]
    blocks_per_half = t_steps // q_block

    def body(ev_ref, qb_ref, qt_ref, dep_ref):
        qb = qb_ref[...]
        qt = qt_ref[...].astype(jnp.uint32)

        def step(sc, acc):
            evc = ev_ref[pl.ds(sc, 1), :]
            r = evc - qb
            valid = r.astype(jnp.uint32) < qt
            return jnp.maximum(acc, jnp.where(valid, r, -1))

        n_scan = (
            (lax.rem(pl.program_id(0), blocks_per_half) + 1)
            * (q_block // 128)
        )
        acc = lax.fori_loop(
            0, n_scan, step, jnp.full((q_block, 128), -1, jnp.int32)
        )
        dep_ref[...] = jnp.max(acc, axis=1, keepdims=True)

    return pl.pallas_call(
        body,
        grid=(n_q // q_block,),
        out_shape=jax.ShapeDtypeStruct((n_q, 1), jnp.int32),
        in_specs=[
            pl.BlockSpec((n_chunks, 128), lambda i: (0, 0)),
            pl.BlockSpec((q_block, 1), lambda i: (i, 0)),
            pl.BlockSpec((q_block, 1), lambda i: (i, 0)),
        ],
        out_specs=pl.BlockSpec((q_block, 1), lambda i: (i, 0)),
    )(ev, q_base, q_t)


def _tc_compute(g128, parity, w, b2, dep2, fix, nfix, t_steps, d):

    def body(g_ref, par_ref, w_ref, b_ref, dep0_ref, dep1_ref, fix_ref,
             nfix_ref, out_ref, h_ref):
        h = jnp.where(par_ref[...] != 0, g_ref[:, d:], g_ref[:, :d])
        h_ref[...] = h
        out_ref[...] = jnp.tanh(
            jnp.dot(h[:t_steps], w_ref[:d, :],
                    preferred_element_type=jnp.float32)
            + jnp.dot(h[t_steps:], w_ref[d:, :],
                      preferred_element_type=jnp.float32)
            + b_ref[...]
        )

        def fixup(i, carry):
            t = fix_ref[i]
            s0 = dep0_ref[t]
            s1 = dep1_ref[t]
            r0 = out_ref[pl.ds(jnp.maximum(s0, 0), 1), :]
            r1 = out_ref[pl.ds(jnp.maximum(s1, 0), 1), :]
            h0 = jnp.where(s0 < 0, h_ref[pl.ds(t, 1), :], r0)
            h1 = jnp.where(s1 < 0, h_ref[pl.ds(t_steps + t, 1), :], r1)
            x = (
                jnp.dot(h0, w_ref[:d, :], preferred_element_type=jnp.float32)
                + jnp.dot(h1, w_ref[d:, :], preferred_element_type=jnp.float32)
                + b_ref[...]
            )
            out_ref[pl.ds(t, 1), :] = jnp.tanh(x)
            return carry

        lax.fori_loop(0, nfix_ref[0], fixup, 0)

    return pl.pallas_call(
        body,
        out_shape=jax.ShapeDtypeStruct((t_steps, d), jnp.float32),
        in_specs=[
            pl.BlockSpec(memory_space=pltpu.VMEM),
            pl.BlockSpec(memory_space=pltpu.VMEM),
            pl.BlockSpec(memory_space=pltpu.VMEM),
            pl.BlockSpec(memory_space=pltpu.VMEM),
            pl.BlockSpec(memory_space=pltpu.SMEM),
            pl.BlockSpec(memory_space=pltpu.SMEM),
            pl.BlockSpec(memory_space=pltpu.SMEM),
            pl.BlockSpec(memory_space=pltpu.SMEM),
        ],
        out_specs=pl.BlockSpec(memory_space=pltpu.VMEM),
        scratch_shapes=[pltpu.VMEM((2 * t_steps, d), jnp.float32)],
    )(g128, parity, w, b2, dep2[0], dep2[1], fix, nfix)


def kernel(mem, W, b, children, write_idx):
    m_rows, d = mem.shape
    t_steps = children.shape[0]

    child_flat = children.T.reshape(-1).astype(jnp.int32)

    table2 = mem.reshape(m_rows // 2, 2 * d)
    g128 = _make_sc_gather(m_rows // 2, 2 * d, 2 * t_steps)(
        table2, child_flat // 2
    )
    parity = (child_flat & 1).reshape(2 * t_steps, 1)

    t_ar = jnp.arange(t_steps, dtype=jnp.int32)
    ev = (write_idx.astype(jnp.int32) * t_steps + t_ar).reshape(-1, 128)
    q_base = (child_flat * t_steps).reshape(2 * t_steps, 1)
    q_t = jnp.concatenate([t_ar, t_ar]).reshape(2 * t_steps, 1)
    dep = _dep_kernel(ev, q_base, q_t, 2 * t_steps, t_steps)
    dep2 = dep.reshape(2, t_steps)
    needfix = jnp.any(dep2 >= 0, axis=0)
    fix = jnp.nonzero(needfix, size=t_steps, fill_value=t_steps)[0].astype(jnp.int32)
    nfix = needfix.sum(dtype=jnp.int32).reshape(1)

    return _tc_compute(
        g128, parity, W, b.reshape(1, d), dep2, fix, nfix, t_steps, d
    )

# --- scband reference (transcript-rebuilt; emitter-appended) ---
"""Pipeline reference for scband-recursive2-2740189135753 (READ-ONLY COPY).

The authoritative reference and input builder live on the scoring server;
editing this copy changes nothing except your own understanding.
"""

import jax, jax.numpy as jnp
import numpy as np

M, D, T = 262144, 64, 4096

def setup_inputs(seed: int = 0) -> dict:
    key = jax.random.key(seed)
    k1, k2, k3, k4 = jax.random.split(key, 4)
    # partials memory buffer (leaf/partial representations), the scatter target
    mem = jax.random.normal(k1, (M, D), dtype=jnp.float32)
    # composition model parameters (comp_model reconstructed as a dense+tanh combiner
    # over the two gathered child states, matching the RecursiveNN step semantics)
    W = jax.random.normal(k2, (2 * D, D), dtype=jnp.float32) * 0.05
    b = jnp.zeros((D,), dtype=jnp.float32)
    # per-step (children0, children1) indices gathered from the memory buffer
    children = jax.random.randint(k3, (T, 2), 0, M, dtype=jnp.int32)
    # per-step write index (T.set_subtensor(p[index], o) scatter-overwrite)
    write_idx = jax.random.randint(k4, (T,), 0, M, dtype=jnp.int32)
    return {"mem": mem, "W": W, "b": b, "children": children, "write_idx": write_idx}


def reference(mem, W, b, children, write_idx):
    # Faithful translation of Recursive2.step scanned over the sequence axis:
    #   inputs1 = partial[children[0]] ; inputs2 = partial[children[1]]  (gathers)
    #   model_out = comp_model.apply(inputs1 + inputs2)                 (dense+tanh)
    #   partial = set_subtensor(partial[index], model_out)              (scatter-overwrite)
    # K.renn returns the per-step outputs (return_sequences=True).
    def step(m, inp):
        ch, idx = inp
        h0 = jnp.take(m, ch[0], axis=0)
        h1 = jnp.take(m, ch[1], axis=0)
        out = jnp.tanh(jnp.concatenate([h0, h1], axis=-1) @ W + b)
        m = m.at[idx].set(out)
        return m, out

    final_mem, outputs = jax.lax.scan(step, mem, (children, write_idx))
    return outputs

if __name__ == "__main__":
    import jax
    _d = setup_inputs()
    print(jax.jit(kernel)(*tuple(_d.values())))

</pallas_src>

<mosaic_0001>
#map = affine_map<(d0, d1) -> (0, 0)>
#map1 = affine_map<(d0, d1) -> (0)>
module attributes {stable_mosaic.version = 14 : i64} {
  func.func @gather_kernel(%arg0: i32, %arg1: i32, %arg2: memref<131072x128xf32, #tpu.memory_space<hbm>>, %arg3: memref<8192xi32, #tpu.memory_space<hbm>>, %arg4: memref<8192x128xf32, #tpu.memory_space<hbm>>, %arg5: memref<256xi32, #tpu.memory_space<vmem>>, %arg6: memref<256x128xf32, #tpu.memory_space<vmem>>, %arg7: memref<!tpu.dma_semaphore, #tpu.memory_space<semaphore_mem>>) attributes {dimension_semantics = [#tpu.dimension_semantics<core_parallel>, #tpu.dimension_semantics<subcore_parallel>], iteration_bounds = array<i64: 2, 16>, scalar_prefetch = 0 : i64, scratch_operands = 3 : i64, tpu.core_type = #tpu.core_type<sc_vector_subcore>, window_params = [{transform_indices = #map}, {transform_indices = #map1}, {transform_indices = #map}]} {
    %mul3A = arith.constant 2 : i32
    %mul3A_0 = arith.muli %arg1, %mul3A : i32
    %add3A = arith.addi %mul3A_0, %arg0 : i32
    %mul3A_1 = arith.constant 256 : i32
    %mul3A_2 = arith.muli %add3A, %mul3A_1 : i32
    "tpu.region"() ({
      %run_scoped3A = tpu.sem_alloc : memref<!tpu.dma_semaphore, #tpu.memory_space<semaphore_mem>>
      %dma_start3A_7 = tpu.memref_slice %arg3[%mul3A_2] : memref<8192xi32, #tpu.memory_space<hbm>> -> memref<256xi32, #tpu.memory_space<hbm>>
      %dma_start3A_8 = tpu.memref_slice %arg3[%mul3A_2] : memref<8192xi32, #tpu.memory_space<hbm>> -> memref<256xi32, #tpu.memory_space<hbm>>
      tpu.enqueue_dma source(%dma_start3A_8 : memref<256xi32, #tpu.memory_space<hbm>>) target(%arg5 : memref<256xi32, #tpu.memory_space<vmem>>) target_semaphore(%run_scoped3A : memref<!tpu.dma_semaphore, #tpu.memory_space<semaphore_mem>>)
      %dma_wait3A_9 = tpu.memref_slice %arg3[%mul3A_2] : memref<8192xi32, #tpu.memory_space<hbm>> -> memref<256xi32, #tpu.memory_space<hbm>>
      %dma_wait3A_10 = tpu.memref_slice %arg3[%mul3A_2] : memref<8192xi32, #tpu.memory_space<hbm>> -> memref<256xi32, #tpu.memory_space<hbm>>
      tpu.wait_dma2 semaphore(%run_scoped3A : memref<!tpu.dma_semaphore, #tpu.memory_space<semaphore_mem>>) src(%dma_wait3A_10 : memref<256xi32, #tpu.memory_space<hbm>>) dst(%arg5 : memref<256xi32, #tpu.memory_space<vmem>>)
      tpu.yield
    }) : () -> ()
    %dma_start3A = arith.constant 0 : i32
    %dma_start3A_3 = arith.constant 0 : i32
    %dma_start3A_4 = tpu.memref_slice %arg2[%dma_start3A, %dma_start3A_3] : memref<131072x128xf32, #tpu.memory_space<hbm>> -> memref<131072x128xf32, #tpu.memory_space<hbm>>
    tpu.enqueue_indirect_dma source(%dma_start3A_4 : memref<131072x128xf32, #tpu.memory_space<hbm>>) target(%arg6 : memref<256x128xf32, #tpu.memory_space<vmem>>) offsets(%arg5 : memref<256xi32, #tpu.memory_space<vmem>>) semaphore(%arg7 : memref<!tpu.dma_semaphore, #tpu.memory_space<semaphore_mem>>)
    %dma_wait3A = arith.constant 0 : i32
    %dma_wait3A_5 = arith.constant 0 : i32
    %dma_wait3A_6 = tpu.memref_slice %arg2[%dma_wait3A, %dma_wait3A_5] : memref<131072x128xf32, #tpu.memory_space<hbm>> -> memref<131072x128xf32, #tpu.memory_space<hbm>>
    tpu.wait_indirect_dma semaphore(%arg7 : memref<!tpu.dma_semaphore, #tpu.memory_space<semaphore_mem>>) src(%dma_wait3A_6 : memref<131072x128xf32, #tpu.memory_space<hbm>>) dst(%arg6 : memref<256x128xf32, #tpu.memory_space<vmem>>)
    "tpu.region"() ({
      %run_scoped3A = tpu.sem_alloc : memref<!tpu.dma_semaphore, #tpu.memory_space<semaphore_mem>>
      %dma_start3A_7 = arith.constant 0 : i32
      %dma_start3A_8 = tpu.memref_slice %arg4[%mul3A_2, %dma_start3A_7] : memref<8192x128xf32, #tpu.memory_space<hbm>> -> memref<256x128xf32, #tpu.memory_space<hbm>>
      %dma_start3A_9 = arith.constant 0 : i32
      %dma_start3A_10 = tpu.memref_slice %arg4[%mul3A_2, %dma_start3A_9] : memref<8192x128xf32, #tpu.memory_space<hbm>> -> memref<256x128xf32, #tpu.memory_space<hbm>>
      tpu.enqueue_dma source(%arg6 : memref<256x128xf32, #tpu.memory_space<vmem>>) target(%dma_start3A_10 : memref<256x128xf32, #tpu.memory_space<hbm>>) target_semaphore(%run_scoped3A : memref<!tpu.dma_semaphore, #tpu.memory_space<semaphore_mem>>)
      %dma_wait3A_11 = arith.constant 0 : i32
      %dma_wait3A_12 = tpu.memref_slice %arg4[%mul3A_2, %dma_wait3A_11] : memref<8192x128xf32, #tpu.memory_space<hbm>> -> memref<256x128xf32, #tpu.memory_space<hbm>>
      %dma_wait3A_13 = arith.constant 0 : i32
      %dma_wait3A_14 = tpu.memref_slice %arg4[%mul3A_2, %dma_wait3A_13] : memref<8192x128xf32, #tpu.memory_space<hbm>> -> memref<256x128xf32, #tpu.memory_space<hbm>>
      tpu.wait_dma2 semaphore(%run_scoped3A : memref<!tpu.dma_semaphore, #tpu.memory_space<semaphore_mem>>) src(%arg6 : memref<256x128xf32, #tpu.memory_space<vmem>>) dst(%dma_wait3A_14 : memref<256x128xf32, #tpu.memory_space<hbm>>)
      tpu.yield
    }) : () -> ()
    return
  }
}

module attributes {stable_mosaic.version = 14 : i64} {
  func.func @body(%arg0: i32, %arg1: memref<32x128xi32, #tpu.memory_space<vmem>>, %arg2: memref<1024x1xi32, #tpu.memory_space<vmem>>, %arg3: memref<1024x1xi32, #tpu.memory_space<vmem>>, %arg4: memref<1024x1xi32, #tpu.memory_space<vmem>>) attributes {dimension_semantics = [#tpu.dimension_semantics<arbitrary>], iteration_bounds = array<i64: 8>, scalar_prefetch = 0 : i64, scratch_operands = 0 : i64, tpu.core_type = #tpu.core_type<tc>, window_params = [{pipeline_mode = #tpu.pipeline_mode<synchronous>, transform_indices = @transform_0, window_bounds = array<i64: 32, 128>}, {transform_indices = @transform_1, window_bounds = array<i64: 1024, 1>}, {transform_indices = @transform_2, window_bounds = array<i64: 1024, 1>}, {transform_indices = @transform_3, window_bounds = array<i64: 1024, 1>}]} {
    %get3A = arith.constant 0 : index
    %get3A_0 = arith.constant 0 : index
    %get3A_1 = vector.load %arg2[%get3A, %get3A_0] : memref<1024x1xi32, #tpu.memory_space<vmem>>, vector<1024x1xi32>
    %get3A_2 = arith.constant 0 : index
    %get3A_3 = arith.constant 0 : index
    %get3A_4 = vector.load %arg3[%get3A_2, %get3A_3] : memref<1024x1xi32, #tpu.memory_space<vmem>>, vector<1024x1xi32>
    %rem3A = arith.constant 4 : i32
    %rem3A_5 = arith.remsi %arg0, %rem3A : i32
    %add3A = arith.constant 1 : i32
    %add3A_6 = arith.addi %rem3A_5, %add3A : i32
    %mul3A = arith.constant 8 : i32
    %mul3A_7 = arith.muli %add3A_6, %mul3A : i32
    %broadcast_in_dim3A = arith.constant -1 : i32
    %broadcast_in_dim3A_8 = vector.broadcast %broadcast_in_dim3A : i32 to vector<1024x128xi32>
    %while3A = arith.constant 0 : i32
    %while3A_9 = arith.subi %mul3A_7, %while3A : i32
    %while3A_10 = arith.addi %while3A, %while3A_9 : i32
    %while3A_11 = arith.constant 1 : i32
    %while3A_12 = arith.divsi %while3A_9, %while3A_11 : i32
    %while3A_13 = arith.muli %while3A_12, %while3A_11 : i32
    %while3A_14 = arith.addi %while3A, %while3A_13 : i32
    %while3A_15 = arith.constant 1 : i32
    %while3A_16 = scf.for %while3A_23 = %while3A to %while3A_14 step %while3A_15 iter_args(%while3A_24 = %broadcast_in_dim3A_8) -> (vector<1024x128xi32>)  : i32 {
      %get3A_25 = arith.index_cast %while3A_23 : i32 to index
      %get3A_26 = arith.constant 0 : index
      %get3A_27 = vector.load %arg1[%get3A_25, %get3A_26] : memref<32x128xi32, #tpu.memory_space<vmem>>, vector<1x128xi32>
      %sub3A = vector.broadcast %get3A_27 : vector<1x128xi32> to vector<1024x128xi32>
      %sub3A_28 = vector.broadcast %get3A_1 : vector<1024x1xi32> to vector<1024x128xi32>
      %sub3A_29 = arith.subi %sub3A, %sub3A_28 : vector<1024x128xi32>
      %lt3A = vector.broadcast %get3A_4 : vector<1024x1xi32> to vector<1024x128xi32>
      %lt3A_30 = arith.cmpi ult, %sub3A_29, %lt3A : vector<1024x128xi32>
      %jit3A = arith.constant -1 : i32
      %broadcast_in_dim3A_31 = vector.broadcast %jit3A : i32 to vector<1024x128xi32>
      %select_n3A = arith.select %lt3A_30, %sub3A_29, %broadcast_in_dim3A_31 : vector<1024x128xi1>, vector<1024x128xi32>
      %max3A = arith.maxsi %while3A_24, %select_n3A : vector<1024x128xi32>
      scf.yield %max3A : vector<1024x128xi32>
    }
    %while3A_17 = arith.constant 1 : i32
    %while3A_18 = scf.for %while3A_23 = %while3A_14 to %while3A_10 step %while3A_17 iter_args(%while3A_24 = %while3A_16) -> (vector<1024x128xi32>)  : i32 {
      %get3A_25 = arith.index_cast %while3A_23 : i32 to index
      %get3A_26 = arith.constant 0 : index
      %get3A_27 = vector.load %arg1[%get3A_25, %get3A_26] : memref<32x128xi32, #tpu.memory_space<vmem>>, vector<1x128xi32>
      %sub3A = vector.broadcast %get3A_27 : vector<1x128xi32> to vector<1024x128xi32>
      %sub3A_28 = vector.broadcast %get3A_1 : vector<1024x1xi32> to vector<1024x128xi32>
      %sub3A_29 = arith.subi %sub3A, %sub3A_28 : vector<1024x128xi32>
      %lt3A = vector.broadcast %get3A_4 : vector<1024x1xi32> to vector<1024x128xi32>
      %lt3A_30 = arith.cmpi ult, %sub3A_29, %lt3A : vector<1024x128xi32>
      %jit3A = arith.constant -1 : i32
      %broadcast_in_dim3A_31 = vector.broadcast %jit3A : i32 to vector<1024x128xi32>
      %select_n3A = arith.select %lt3A_30, %sub3A_29, %broadcast_in_dim3A_31 : vector<1024x128xi1>, vector<1024x128xi32>
      %max3A = arith.maxsi %while3A_24, %select_n3A : vector<1024x128xi32>
      scf.yield %max3A : vector<1024x128xi32>
    }
    %reduce_max3A = arith.constant dense<-2147483648> : vector<1024xi32>
    %reduce_max3A_19 = vector.multi_reduction <maxsi>, %while3A_18, %reduce_max3A [1] : vector<1024x128xi32> to vector<1024xi32>
    %broadcast_in_dim3A_20 = vector.shape_cast %reduce_max3A_19 : vector<1024xi32> to vector<1024x1xi32>
    %swap3A = arith.constant 0 : index
    %swap3A_21 = arith.constant 0 : index
    %swap3A_22 = vector.load %arg4[%swap3A, %swap3A_21] : memref<1024x1xi32, #tpu.memory_space<vmem>>, vector<1024x1xi32>
    tpu.vector_store %arg4[%swap3A, %swap3A_21], %broadcast_in_dim3A_20 {strides = array<i32>} : memref<1024x1xi32, #tpu.memory_space<vmem>>, vector<1024x1xi32>,
    return
  }
  func.func @transform_0(%arg0: i32) -> (i32, i32) {
    %c0_i32 = arith.constant 0 : i32
    %c0_i32_0 = arith.constant 0 : i32
    %c0_i32_1 = arith.constant 0 : i32
    return %c0_i32, %c0_i32_0 : i32, i32
  }
  func.func @transform_1(%arg0: i32) -> (i32, i32) {
    %c0_i32 = arith.constant 0 : i32
    %c0_i32_0 = arith.constant 0 : i32
    return %arg0, %c0_i32 : i32, i32
  }
  func.func @transform_2(%arg0: i32) -> (i32, i32) {
    %c0_i32 = arith.constant 0 : i32
    %c0_i32_0 = arith.constant 0 : i32
    return %arg0, %c0_i32 : i32, i32
  }
  func.func @transform_3(%arg0: i32) -> (i32, i32) {
    %c0_i32 = arith.constant 0 : i32
    %c0_i32_0 = arith.constant 0 : i32
    return %arg0, %c0_i32 : i32, i32
  }
}

module attributes {stable_mosaic.version = 14 : i64} {
  func.func @body(%arg0: memref<8192x128xf32, #tpu.memory_space<vmem>>, %arg1: memref<8192x1xi32, #tpu.memory_space<vmem>>, %arg2: memref<128x64xf32, #tpu.memory_space<vmem>>, %arg3: memref<1x64xf32, #tpu.memory_space<vmem>>, %arg4: memref<4096xi32, #tpu.memory_space<smem>>, %arg5: memref<4096xi32, #tpu.memory_space<smem>>, %arg6: memref<4096xi32, #tpu.memory_space<smem>>, %arg7: memref<1xi32, #tpu.memory_space<smem>>, %arg8: memref<4096x64xf32, #tpu.memory_space<vmem>>, %arg9: memref<8192x64xf32, #tpu.memory_space<vmem>>) attributes {dimension_semantics = [], scalar_prefetch = 0 : i64, scratch_operands = 1 : i64, tpu.core_type = #tpu.core_type<tc>} {
    %get3A = arith.constant 0 : index
    %get3A_0 = arith.constant 0 : index
    %get3A_1 = vector.load %arg1[%get3A, %get3A_0] : memref<8192x1xi32, #tpu.memory_space<vmem>>, vector<8192x1xi32>
    %ne3A = arith.constant 0 : i32
    %ne3A_2 = vector.broadcast %ne3A : i32 to vector<8192x1xi32>
    %ne3A_3 = arith.cmpi ne, %get3A_1, %ne3A_2 : vector<8192x1xi32>
    %get3A_4 = arith.constant 0 : index
    %get3A_5 = arith.constant 64 : index
    %get3A_6 = vector.load %arg0[%get3A_4, %get3A_5] : memref<8192x128xf32, #tpu.memory_space<vmem>>, vector<8192x64xf32>
    %get3A_7 = arith.constant 0 : index
    %get3A_8 = arith.constant 0 : index
    %get3A_9 = vector.load %arg0[%get3A_7, %get3A_8] : memref<8192x128xf32, #tpu.memory_space<vmem>>, vector<8192x64xf32>
    %broadcast_in_dim3A = vector.shape_cast %ne3A_3 : vector<8192x1xi1> to vector<8192x1xi1>
    %broadcast_in_dim3A_10 = vector.broadcast %broadcast_in_dim3A : vector<8192x1xi1> to vector<8192x64xi1>
    %select_n3A = arith.select %broadcast_in_dim3A_10, %get3A_6, %get3A_9 : vector<8192x64xi1>, vector<8192x64xf32>
    %swap3A = arith.constant 0 : index
    %swap3A_11 = arith.constant 0 : index
    %swap3A_12 = vector.load %arg9[%swap3A, %swap3A_11] : memref<8192x64xf32, #tpu.memory_space<vmem>>, vector<8192x64xf32>
    tpu.vector_store %arg9[%swap3A, %swap3A_11], %select_n3A {strides = array<i32>} : memref<8192x64xf32, #tpu.memory_space<vmem>>, vector<8192x64xf32>,
    %slice3A = vector.extract_strided_slice %select_n3A {offsets = [0, 0], sizes = [4096, 64], strides = [1, 1]} : vector<8192x64xf32> to vector<4096x64xf32>
    %get3A_13 = arith.constant 0 : index
    %get3A_14 = arith.constant 0 : index
    %get3A_15 = vector.load %arg2[%get3A_13, %get3A_14] : memref<128x64xf32, #tpu.memory_space<vmem>>, vector<64x64xf32>
    %dot_general3A = arith.constant dense<0.000000e+00> : vector<4096x64xf32>
    %dot_general3A_16 = tpu.matmul %slice3A, %get3A_15, %dot_general3A {dimension_numbers = #tpu.dot_dimension_numbers<[1], [0], [0], [1], [0, 0, 1, 1], [], []>, transpose_lhs_hint = false} : vector<4096x64xf32>, vector<64x64xf32>, vector<4096x64xf32> -> vector<4096x64xf32>
    %slice3A_17 = vector.extract_strided_slice %select_n3A {offsets = [4096, 0], sizes = [4096, 64], strides = [1, 1]} : vector<8192x64xf32> to vector<4096x64xf32>
    %get3A_18 = arith.constant 64 : index
    %get3A_19 = arith.constant 0 : index
    %get3A_20 = vector.load %arg2[%get3A_18, %get3A_19] : memref<128x64xf32, #tpu.memory_space<vmem>>, vector<64x64xf32>
    %dot_general3A_21 = arith.constant dense<0.000000e+00> : vector<4096x64xf32>
    %dot_general3A_22 = tpu.matmul %slice3A_17, %get3A_20, %dot_general3A_21 {dimension_numbers = #tpu.dot_dimension_numbers<[1], [0], [0], [1], [0, 0, 1, 1], [], []>, transpose_lhs_hint = false} : vector<4096x64xf32>, vector<64x64xf32>, vector<4096x64xf32> -> vector<4096x64xf32>
    %add3A = arith.addf %dot_general3A_16, %dot_general3A_22 : vector<4096x64xf32>
    %get3A_23 = arith.constant 0 : index
    %get3A_24 = arith.constant 0 : index
    %get3A_25 = vector.load %arg3[%get3A_23, %get3A_24] : memref<1x64xf32, #tpu.memory_space<vmem>>, vector<1x64xf32>
    %add3A_26 = vector.broadcast %get3A_25 : vector<1x64xf32> to vector<4096x64xf32>
    %add3A_27 = arith.addf %add3A, %add3A_26 : vector<4096x64xf32>
    %tanh3A = math.tanh %add3A_27 : vector<4096x64xf32>
    %swap3A_28 = arith.constant 0 : index
    %swap3A_29 = arith.constant 0 : index
    %swap3A_30 = vector.load %arg8[%swap3A_28, %swap3A_29] : memref<4096x64xf32, #tpu.memory_space<vmem>>, vector<4096x64xf32>
    tpu.vector_store %arg8[%swap3A_28, %swap3A_29], %tanh3A {strides = array<i32>} : memref<4096x64xf32, #tpu.memory_space<vmem>>, vector<4096x64xf32>,
    %get3A_31 = arith.constant 0 : index
    %get3A_32 = memref.load %arg7[%get3A_31] : memref<1xi32, #tpu.memory_space<smem>>
    %while3A = arith.constant 0 : i32
    %while3A_33 = arith.constant 0 : i32
    %while3A_34 = arith.subi %get3A_32, %while3A_33 : i32
    %while3A_35 = arith.addi %while3A_33, %while3A_34 : i32
    %while3A_36 = arith.constant 1 : i32
    %while3A_37 = arith.divsi %while3A_34, %while3A_36 : i32
    %while3A_38 = arith.muli %while3A_37, %while3A_36 : i32
    %while3A_39 = arith.addi %while3A_33, %while3A_38 : i32
    %while3A_40 = arith.constant 1 : i32
    scf.for %while3A_42 = %while3A_33 to %while3A_39 step %while3A_40  : i32 {
      %get3A_43 = arith.index_cast %while3A_42 : i32 to index
      %get3A_44 = memref.load %arg6[%get3A_43] : memref<4096xi32, #tpu.memory_space<smem>>
      %get3A_45 = arith.index_cast %get3A_44 : i32 to index
      %get3A_46 = memref.load %arg4[%get3A_45] : memref<4096xi32, #tpu.memory_space<smem>>
      %get3A_47 = arith.index_cast %get3A_44 : i32 to index
      %get3A_48 = memref.load %arg5[%get3A_47] : memref<4096xi32, #tpu.memory_space<smem>>
      %max3A = arith.constant 0 : i32
      %max3A_49 = arith.maxsi %get3A_46, %max3A : i32
      %get3A_50 = arith.index_cast %max3A_49 : i32 to index
      %get3A_51 = arith.constant 0 : index
      %get3A_52 = vector.load %arg8[%get3A_50, %get3A_51] : memref<4096x64xf32, #tpu.memory_space<vmem>>, vector<1x64xf32>
      %max3A_53 = arith.constant 0 : i32
      %max3A_54 = arith.maxsi %get3A_48, %max3A_53 : i32
      %get3A_55 = arith.index_cast %max3A_54 : i32 to index
      %get3A_56 = arith.constant 0 : index
      %get3A_57 = vector.load %arg8[%get3A_55, %get3A_56] : memref<4096x64xf32, #tpu.memory_space<vmem>>, vector<1x64xf32>
      %lt3A = arith.constant 0 : i32
      %lt3A_58 = arith.cmpi slt, %get3A_46, %lt3A : i32
      %get3A_59 = arith.index_cast %get3A_44 : i32 to index
      %get3A_60 = arith.constant 0 : index
      %get3A_61 = vector.load %arg9[%get3A_59, %get3A_60] : memref<8192x64xf32, #tpu.memory_space<vmem>>, vector<1x64xf32>
      %select_n3A_62 = arith.select %lt3A_58, %get3A_61, %get3A_52 : vector<1x64xf32>
      %lt3A_63 = arith.constant 0 : i32
      %lt3A_64 = arith.cmpi slt, %get3A_48, %lt3A_63 : i32
      %add3A_65 = arith.constant 4096 : i32
      %add3A_66 = arith.addi %add3A_65, %get3A_44 : i32
      %get3A_67 = arith.index_cast %add3A_66 : i32 to index
      %get3A_68 = arith.constant 0 : index
      %get3A_69 = vector.load %arg9[%get3A_67, %get3A_68] : memref<8192x64xf32, #tpu.memory_space<vmem>>, vector<1x64xf32>
      %select_n3A_70 = arith.select %lt3A_64, %get3A_69, %get3A_57 : vector<1x64xf32>
      %get3A_71 = arith.constant 0 : index
      %get3A_72 = arith.constant 0 : index
      %get3A_73 = vector.load %arg2[%get3A_71, %get3A_72] : memref<128x64xf32, #tpu.memory_space<vmem>>, vector<64x64xf32>
      %dot_general3A_74 = arith.constant dense<0.000000e+00> : vector<1x64xf32>
      %dot_general3A_75 = tpu.matmul %select_n3A_62, %get3A_73, %dot_general3A_74 {dimension_numbers = #tpu.dot_dimension_numbers<[1], [0], [0], [1], [0, 0, 1, 1], [], []>, transpose_lhs_hint = false} : vector<1x64xf32>, vector<64x64xf32>, vector<1x64xf32> -> vector<1x64xf32>
      %get3A_76 = arith.constant 64 : index
      %get3A_77 = arith.constant 0 : index
      %get3A_78 = vector.load %arg2[%get3A_76, %get3A_77] : memref<128x64xf32, #tpu.memory_space<vmem>>, vector<64x64xf32>
      %dot_general3A_79 = arith.constant dense<0.000000e+00> : vector<1x64xf32>
      %dot_general3A_80 = tpu.matmul %select_n3A_70, %get3A_78, %dot_general3A_79 {dimension_numbers = #tpu.dot_dimension_numbers<[1], [0], [0], [1], [0, 0, 1, 1], [], []>, transpose_lhs_hint = false} : vector<1x64xf32>, vector<64x64xf32>, vector<1x64xf32> -> vector<1x64xf32>
      %add3A_81 = arith.addf %dot_general3A_75, %dot_general3A_80 : vector<1x64xf32>
      %get3A_82 = arith.constant 0 : index
      %get3A_83 = arith.constant 0 : index
      %get3A_84 = vector.load %arg3[%get3A_82, %get3A_83] : memref<1x64xf32, #tpu.memory_space<vmem>>, vector<1x64xf32>
      %add3A_85 = arith.addf %add3A_81, %get3A_84 : vector<1x64xf32>
      %tanh3A_86 = math.tanh %add3A_85 : vector<1x64xf32>
      %swap3A_87 = arith.index_cast %get3A_44 : i32 to index
      %swap3A_88 = arith.constant 0 : index
      %swap3A_89 = vector.load %arg8[%swap3A_87, %swap3A_88] : memref<4096x64xf32, #tpu.memory_space<vmem>>, vector<1x64xf32>
      tpu.vector_store %arg8[%swap3A_87, %swap3A_88], %tanh3A_86 {strides = array<i32>} : memref<4096x64xf32, #tpu.memory_space<vmem>>, vector<1x64xf32>,
    }
    %while3A_41 = arith.constant 1 : i32
    scf.for %while3A_42 = %while3A_39 to %while3A_35 step %while3A_41  : i32 {
      %get3A_43 = arith.index_cast %while3A_42 : i32 to index
      %get3A_44 = memref.load %arg6[%get3A_43] : memref<4096xi32, #tpu.memory_space<smem>>
      %get3A_45 = arith.index_cast %get3A_44 : i32 to index
      %get3A_46 = memref.load %arg4[%get3A_45] : memref<4096xi32, #tpu.memory_space<smem>>
      %get3A_47 = arith.index_cast %get3A_44 : i32 to index
      %get3A_48 = memref.load %arg5[%get3A_47] : memref<4096xi32, #tpu.memory_space<smem>>
      %max3A = arith.constant 0 : i32
      %max3A_49 = arith.maxsi %get3A_46, %max3A : i32
      %get3A_50 = arith.index_cast %max3A_49 : i32 to index
      %get3A_51 = arith.constant 0 : index
      %get3A_52 = vector.load %arg8[%get3A_50, %get3A_51] : memref<4096x64xf32, #tpu.memory_space<vmem>>, vector<1x64xf32>
      %max3A_53 = arith.constant 0 : i32
      %max3A_54 = arith.maxsi %get3A_48, %max3A_53 : i32
      %get3A_55 = arith.index_cast %max3A_54 : i32 to index
      %get3A_56 = arith.constant 0 : index
      %get3A_57 = vector.load %arg8[%get3A_55, %get3A_56] : memref<4096x64xf32, #tpu.memory_space<vmem>>, vector<1x64xf32>
      %lt3A = arith.constant 0 : i32
      %lt3A_58 = arith.cmpi slt, %get3A_46, %lt3A : i32
      %get3A_59 = arith.index_cast %get3A_44 : i32 to index
      %get3A_60 = arith.constant 0 : index
      %get3A_61 = vector.load %arg9[%get3A_59, %get3A_60] : memref<8192x64xf32, #tpu.memory_space<vmem>>, vector<1x64xf32>
      %select_n3A_62 = arith.select %lt3A_58, %get3A_61, %get3A_52 : vector<1x64xf32>
      %lt3A_63 = arith.constant 0 : i32
      %lt3A_64 = arith.cmpi slt, %get3A_48, %lt3A_63 : i32
      %add3A_65 = arith.constant 4096 : i32
      %add3A_66 = arith.addi %add3A_65, %get3A_44 : i32
      %get3A_67 = arith.index_cast %add3A_66 : i32 to index
      %get3A_68 = arith.constant 0 : index
      %get3A_69 = vector.load %arg9[%get3A_67, %get3A_68] : memref<8192x64xf32, #tpu.memory_space<vmem>>, vector<1x64xf32>
      %select_n3A_70 = arith.select %lt3A_64, %get3A_69, %get3A_57 : vector<1x64xf32>
      %get3A_71 = arith.constant 0 : index
      %get3A_72 = arith.constant 0 : index
      %get3A_73 = vector.load %arg2[%get3A_71, %get3A_72] : memref<128x64xf32, #tpu.memory_space<vmem>>, vector<64x64xf32>
      %dot_general3A_74 = arith.constant dense<0.000000e+00> : vector<1x64xf32>
      %dot_general3A_75 = tpu.matmul %select_n3A_62, %get3A_73, %dot_general3A_74 {dimension_numbers = #tpu.dot_dimension_numbers<[1], [0], [0], [1], [0, 0, 1, 1], [], []>, transpose_lhs_hint = false} : vector<1x64xf32>, vector<64x64xf32>, vector<1x64xf32> -> vector<1x64xf32>
      %get3A_76 = arith.constant 64 : index
      %get3A_77 = arith.constant 0 : index
      %get3A_78 = vector.load %arg2[%get3A_76, %get3A_77] : memref<128x64xf32, #tpu.memory_space<vmem>>, vector<64x64xf32>
      %dot_general3A_79 = arith.constant dense<0.000000e+00> : vector<1x64xf32>
      %dot_general3A_80 = tpu.matmul %select_n3A_70, %get3A_78, %dot_general3A_79 {dimension_numbers = #tpu.dot_dimension_numbers<[1], [0], [0], [1], [0, 0, 1, 1], [], []>, transpose_lhs_hint = false} : vector<1x64xf32>, vector<64x64xf32>, vector<1x64xf32> -> vector<1x64xf32>
      %add3A_81 = arith.addf %dot_general3A_75, %dot_general3A_80 : vector<1x64xf32>
      %get3A_82 = arith.constant 0 : index
      %get3A_83 = arith.constant 0 : index
      %get3A_84 = vector.load %arg3[%get3A_82, %get3A_83] : memref<1x64xf32, #tpu.memory_space<vmem>>, vector<1x64xf32>
      %add3A_85 = arith.addf %add3A_81, %get3A_84 : vector<1x64xf32>
      %tanh3A_86 = math.tanh %add3A_85 : vector<1x64xf32>
      %swap3A_87 = arith.index_cast %get3A_44 : i32 to index
      %swap3A_88 = arith.constant 0 : index
      %swap3A_89 = vector.load %arg8[%swap3A_87, %swap3A_88] : memref<4096x64xf32, #tpu.memory_space<vmem>>, vector<1x64xf32>
      tpu.vector_store %arg8[%swap3A_87, %swap3A_88], %tanh3A_86 {strides = array<i32>} : memref<4096x64xf32, #tpu.memory_space<vmem>>, vector<1x64xf32>,
    }
    return
  }
}

</mosaic_0001>

<sc_bundles>
// kernel: kernel.5.cloned.1.call-start
scs
__scs_entry_jumppad:
0x0: {  	(pc) =	sbr.rel $0x88, $3  }
0x1: {  	(tag) =	ssettag $0x0;
	lr =	simm.s32 $0x1  }
0x2: {  	[smem:$0x3F9C] =	sst lr;
	_ =	strace $0xD0000000  }
0x3: {  	_ = 	snop  }
0x4: {  	_ = 	snop  }
0x5: {  	_ = 	snop  }
0x6: {  	_ = 	snop  }
0x7: {  	_ = 	snop  }
__scs_overlays_trampoline_lowered:
0x8: {  	[smem:$0x3FAB] =	sst s0  }
0x9: {  	[smem:$0x3FAC] =	sst s1  }
0xa: {  	[smem:$0x3FAD] =	sst s2  }
0xb: {  	[smem:$0x3FAE] =	sst s3  }
0xc: {  	[smem:$0x3FAF] =	sst s4  }
0xd: {  	[smem:$0x3FB0] =	sst s5  }
0xe: {  	[smem:$0x3FB1] =	sst s6  }
0xf: {  	[smem:$0x3FB2] =	sst s7  }
0x10: {  	[smem:$0x3FB3] =	sst s8  }
0x11: {  	[smem:$0x3FB4] =	sst s9;
	s0 =	simm.s32 @!p0 $0x0  }
0x12: {  	s1 =	sld [smem:$0x3F9A];
	s0 =	simm.s32 @p0 $0x1  }
0x13: {  	[smem:$0x3FB5] =	sst s0;
	s0 =	simm.s32 @!p1 $0x0  }
0x14: {  	s2 =	sld [smem:$0x3F99];
	s0 =	simm.s32 @p1 $0x1  }
0x15: {  	[smem:$0x3FB6] =	sst s0;
	s0 =	simm.s32 @!p2 $0x0  }
0x16: {  	s3 =	sld [smem:$0x3FDB];
	s0 =	simm.s32 @p2 $0x1  }
0x17: {  	s4 =	simm.s32 $0x1BF5;
	[smem:$0x3FB8] =	sst s0  }
0x18: {  	s0 =	sld [smem:$0x3F9B];
	_ =	swait.ge [sflag:s4], $0x0  }
0x19: {  	s7 =	sld [smem:$0x3F9C]  }
0x1a: {  	s8 =	sadd.s32 $0xFFFFE003, lr  }
0x1b: {  	s9 =	sadd.s32 $0xFFFFFEF7, lr;
	s5 =	simm.s32 $0xFFFFFFFF;
	p2 =	slt.u32 s8, $0xFFFFF086  }
0x1c: {  	p1 =	slt.u32 s9, $0xF7A;
	s5 =	simm.s32 @!p2 $0x0  }
0x1d: {  	s5 =	simm.s32 @p1 $0x1;
	p0 =	seq.s32 s7, s2  }
0x1e: {  	s7 =	smul.u32 @!p0 $0xF7A, s2;
	p2 =	seq.s32 @!p0 s5, $0x0  }
0x1f: {  	s9 =	smul.u32 $0xF7A, s1;
	s8 =	simm.s32 @!p0 $0x1BF5;
	p2 =	por !p2, p0  }
0x20: {  	[sflag:s8] =	ssyncset.s32 @!p0 $0xFFFFF086;
	s6 =	sadd.s32 @!p0 s3, s7;
	s7 =	simm.s32 @!p0 $0x108  }
0x21: {  	s3 =	sadd.s32 s3, s9;
	s6 =	sadd.s32 @!p0 $0x88, s6;
	s7 =	simm.s32 @p2 $0x1082  }
0x22: {  	[simem:s7], [sflag:s8] =	dma.local @!p0 [hbm:s6], $0xF7A  }
0x23: {  	s9 =	sor.u32 $0xD0000000, s2;
	s6 =	simm.s32 $0x108;
	_ =	swait.ge @!p0 [sflag:s8], $0x0  }
0x24: {  	s3 =	sadd.s32 $0x88, s3;
	s6 =	simm.s32 @!p1 $0x1082;
	[sflag:s4] =	ssyncset.s32 $0xFFFFF086  }
0x25: {  	[simem:s6], [sflag:s4] =	dma.local [hbm:s3], $0xF7A  }
0x26: {  	[smem:$0x3F9C] =	sst s1;
	(tag) =	ssettag s2;
	_ =	strace s9  }
0x27: {  	s1 =	sld [smem:$0x3FAC]  }
0x28: {  	s2 =	sld [smem:$0x3FAD]  }
0x29: {  	s4 =	sld [smem:$0x3FAF]  }
0x2a: {  	p0 =	seq.s32 s5, $0x0;
	s5 =	sld [smem:$0x3FB0]  }
0x2b: {  	s6 =	sld [smem:$0x3FB1]  }
0x2c: {  	s7 =	sld [smem:$0x3FB2]  }
0x2d: {  	s3 =	simm.s32 $0x108;
	s8 =	sld [smem:$0x3FB3]  }
0x2e: {  	s3 =	simm.s32 @!p0 $0x1082;
	s9 =	sld [smem:$0x3FB4]  }
0x2f: {  	lr =	sadd.s32 s0, s3;
	s0 =	sld [smem:$0x3FAB]  }
0x30: {  	s3 =	sld [smem:$0x3FAE]  }
0x31: {  	[smem:$0x3FB7] =	sst s10  }
0x32: {  	s10 =	sld [smem:$0x3FB5];
	_ =	sdelay $0x3  }
0x33: {  	p0 =	seq.s32 s10, $0x1;
	s10 =	sld [smem:$0x3FB7];
	_ =	sdelay $0x3  }
0x34: {  	[smem:$0x3FB7] =	sst s10  }
0x35: {  	s10 =	sld [smem:$0x3FB6];
	_ =	sdelay $0x3  }
0x36: {  	p1 =	seq.s32 s10, $0x1;
	s10 =	sld [smem:$0x3FB7];
	_ =	sdelay $0x3  }
0x37: {  	[smem:$0x3FB7] =	sst s10  }
0x38: {  	s10 =	sld [smem:$0x3FB8]  }
0x39: {  	_ = 	snop;
	(pc) =	sbr.ind lr, $3  }
0x3a: {  	_ = 	snop  }
0x3b: {  	_ = 	snop  }
0x3c: {  	p2 =	seq.s32 s10, $0x1;
	s10 =	sld [smem:$0x3FB7]  }
0x3d: {  	_ =	shalt  }
0x3e: {  	_ =	shalt  }
0x3f: {  	_ =	shalt  }
0x40: {  	_ =	shalt  }
0x41: {  	_ =	shalt  }
0x42: {  	_ =	shalt  }
0x43: {  	_ =	shalt  }
0x44: {  	_ =	shalt  }
0x45: {  	_ =	shalt  }
0x46: {  	_ =	shalt  }
0x47: {  	_ =	shalt  }
0x48: {  	_ =	shalt  }
0x49: {  	_ =	shalt  }
0x4a: {  	_ =	shalt  }
0x4b: {  	_ =	shalt  }
0x4c: {  	_ =	shalt  }
0x4d: {  	_ =	shalt  }
0x4e: {  	_ =	shalt  }
0x4f: {  	_ =	shalt  }
0x50: {  	_ =	shalt  }
0x51: {  	_ =	shalt  }
0x52: {  	_ =	shalt  }
0x53: {  	_ =	shalt  }
0x54: {  	_ =	shalt  }
0x55: {  	_ =	shalt  }
0x56: {  	_ =	shalt  }
0x57: {  	_ =	shalt  }
0x58: {  	_ =	shalt  }
0x59: {  	_ =	shalt  }
0x5a: {  	_ =	shalt  }
0x5b: {  	_ =	shalt  }
0x5c: {  	_ =	shalt  }
0x5d: {  	_ =	shalt  }
0x5e: {  	_ =	shalt  }
0x5f: {  	_ =	shalt  }
0x60: {  	_ =	shalt  }
0x61: {  	_ =	shalt  }
0x62: {  	_ =	shalt  }
0x63: {  	_ =	shalt  }
0x64: {  	_ =	shalt  }
0x65: {  	_ =	shalt  }
0x66: {  	_ =	shalt  }
0x67: {  	_ =	shalt  }
0x68: {  	_ =	shalt  }
0x69: {  	_ =	shalt  }
0x6a: {  	_ =	shalt  }
0x6b: {  	_ =	shalt  }
0x6c: {  	_ =	shalt  }
0x6d: {  	_ =	shalt  }
0x6e: {  	_ =	shalt  }
0x6f: {  	_ =	shalt  }
0x70: {  	_ =	shalt  }
0x71: {  	_ =	shalt  }
0x72: {  	_ =	shalt  }
0x73: {  	_ =	shalt  }
0x74: {  	_ =	shalt  }
0x75: {  	_ =	shalt  }
0x76: {  	_ =	shalt  }
0x77: {  	_ =	shalt  }
0x78: {  	_ =	shalt  }
0x79: {  	_ =	shalt  }
0x7a: {  	_ =	shalt  }
0x7b: {  	_ =	shalt  }
0x7c: {  	_ =	shalt  }
0x7d: {  	_ =	shalt  }
0x7e: {  	_ =	shalt  }
0x7f: {  	_ =	shalt  }
0x80: {  	_ =	shalt  }
0x81: {  	_ =	shalt  }
0x82: {  	_ =	shalt  }
0x83: {  	_ =	shalt  }
0x84: {  	_ =	shalt  }
0x85: {  	_ =	shalt  }
0x86: {  	_ =	shalt  }
0x87: {  	_ =	shalt  }
.Lfunc_end0:
.L_simem_size_0:
called_computation.1_lowered:
.L_overlay_start_0:
0x88: {  	s2 =	sld [smem:$0x3FD9]  }
0x89: {  	s3 =	sld [smem:$0x3FFE];
	_ =	sdelay $0x1  }
0x8a: {  	s1 =	srdreg.scid  }
0x8b: {  	s0 =	sand.u32 $0x1, s1  }
0x8c: {  	s17 =	sshll.u32 s0, $0xA;
	s2 =	sadd.s32 s3, s2  }
0x8d: {  	s2 =	sadd.s32 s2, s17  }
0x8e: {  	[smem:$0x3FC3] =	sst s2  }
0x8f: {  	_ = 	snop  }
0x90: {  	s18 =	sld [smem:$0x3FD0];
	(tm) =	ssettm $0x1  }
0x91: {  	s19 =	sld [smem:$0x3FFB];
	_ =	sdelay $0x3  }
0x92: {  	_ =	strace s19  }
0x93: {  	s2 =	sld [smem:$0x3FFC];
	_ =	sdelay $0x3  }
0x94: {  	_ =	strace s2  }
0x95: {  	s2 =	sld [smem:$0x3FFD];
	_ =	sdelay $0x3  }
0x96: {  	_ =	strace s2  }
0x97: {  	_ =	strace $0x8FFFFFFF  }
0x98: {  	s20 =	sld [smem:$0x3FDB];
	_ =	sdelay $0x1  }
0x99: {  	s4 =	simm.s32 $_scs_section_size  }
0x9a: {  	s5 =	simm.s32 $_size__tile_overlayer_lowered;
	s6 =	simm.s32 $_tile_overlayer_lowered  }
0x9b: {  	s7 =	simm.s32 $0x1BFF;
	s21 =	sshll.u32 s6, $0x1;
	s4 =	sadd.s32 s4, s20  }
0x9c: {  	s22 =	simm.s32 $0x0;
	s5 =	sshll.u32 s5, $0x1;
	s6 =	sadd.s32 s21, s4  }
0x9d: {  	[timem:s22], [sflag:s7] =	dma.local [hbm:s6], s5  }
0x9e: {  	_ =	swait.ge [sflag:s7], s5  }
0x9f: {  	s5 =	ssub.s32 $0x0, s5;
	[sflag:s7] =	ssyncset.done $0x0  }
0xa0: {  	[sflag:s7] =	ssyncadd.s32 s5;
	_ =	sdelay $0x1  }
0xa1: {  	s23 =	simm.s32 $0x1B8B  }
0xa2: {  	_ =	swait.ge [sflag:s23], $0x1  }
0xa3: {  	[sflag:s23] =	ssyncset.done $0x0  }
0xa4: {  	[sflag:s23] =	ssyncadd.s32 $0xFFFFFFFF  }
0xa5: {  	s5 =	sld [smem:$0x0]  }
0xa6: {  	s6 =	sand.u32 $0xFFFFFFFE, s1  }
0xa7: {  	p0 =	sne.s32 s1, s6  }
0xa8: {  	s6 =	sshll.u32 @p0 s6, $0xE  }
0xa9: {  	s6 =	sadd.s32 @p0 $0x11B8D, s6;
	s7 =	sshll.u32 @p0 s5, $0x11  }
0xaa: {  	s6 =	sor.u32 @p0 s7, s6  }
0xab: {  	[sflag:s6] =	ssyncadd.remote.s32 @p0 $0x1;
	_ =	sdelay $0x1  }
0xac: {  	s6 =	simm.s32 @p0 $0x1B8D  }
0xad: {  	_ =	swait.eq @p0 [sflag:s6], $0x1  }
0xae: {  	[sflag:s6] =	ssyncadd.s32 @p0 $0xFFFFFFFF  }
0xaf: {  	s7 =	sshll.u32 @!p0 s1, $0xE  }
0xb0: {  	s7 =	sor.u32 @!p0 $0x4000, s7;
	s6 =	simm.s32 @!p0 $0x1B8D  }
0xb1: {  	s5 =	sshll.u32 @!p0 s5, $0x11;
	s7 =	sadd.s32 @!p0 $0x11B8D, s7;
	_ =	swait.eq @!p0 [sflag:s6], $0x1  }
0xb2: {  	s5 =	sor.u32 @!p0 s5, s7;
	[sflag:s6] =	ssyncadd.s32 @!p0 $0xFFFFFFFF  }
0xb3: {  	s25 =	simm.s32 $0x1B8E;
	s24 =	sld [smem:$0x3FFE];
	[sflag:s5] =	ssyncadd.remote.s32 @!p0 $0x1  }
0xb4: {  	s26 =	simm.s32 $execute0_lowered;
	[smem:$0x3FD2] =	sst s25  }
0xb5: {  	s6 =	sshll.u32 s26, $0x1;
	_ =	strace $0x80000049;
	[dreg:$0x1] =	wrdreg $0xFFFFFFFF  }
0xb6: {  	s28 =	simm.s32 $_size_execute0_lowered;
	s4 =	sadd.s32 s4, s6;
	[dreg:$0x0] =	wrdreg $0x0  }
0xb7: {  	s6 =	sshll.u32 s28, $0x1;
	[dreg:$0x2] =	wrdreg s4  }
0xb8: {  	[dreg:$0x3] =	wrdreg s6  }
0xb9: {  	[dreg:$0x4] =	wrdreg $0xC0  }
0xba: {  	_ =	task [dreg:s22], $0x5FFFF  }
0xbb: {  	[dreg:$0x1] =	wrdreg $0xFFFFFFFF  }
0xbc: {  	[dreg:$0x0] =	wrdreg $0x60  }
0xbd: {  	[dreg:$0x2] =	wrdreg s24  }
0xbe: {  	[dreg:$0x3] =	wrdreg s18  }
0xbf: {  	[dreg:$0x4] =	wrdreg $0xA  }
0xc0: {  	_ =	task.clear_ibuf [dreg:s22], $0x5FFFF;
	_ =	strace $0x90000049  }
0xc1: {  	s29 =	simm.s32 $0xA;
	_ =	strace $0x8000004B  }
0xc2: {  	_ =	swait.ge [sflag:s29], $0x1  }
0xc3: {  	[sflag:s29] =	ssyncadd.s32 $0xFFFFFFFF  }
0xc4: {  	_ =	strace $0x9000004B  }
0xc5: {  	_ =	sfence  }
0xc6: {  	s30 =	sld [smem:$0x0];
	_ =	sdelay $0x2  }
0xc7: {  	s31 =	sshll.u32 s1, $0xD;
	s1 =	sshrl.u32 s1, $0x2  }
0xc8: {  	s4 =	sand.u32 $0x4000, s31;
	s1 =	sadd.s32 s1, s30  }
0xc9: {  	s0 =	sor.u32 s4, s0;
	s1 =	sshll.u32 s1, $0x11  }
0xca: {  	s0 =	sor.u32 s1, s0  }
0xcb: {  	s0 =	sadd.s32 $0x8F2B, s0  }
0xcc: {  	[sflag:s0] =	ssyncadd.remote.s32 $0x1  }
0xcd: {  	_ =	sfence.sel $0xFFFF  }
0xce: {  	[dreg:$0x0] =	wrdreg $0xFFFFFFFF;
	(pc) =	sbr.abs _section_cstart, $3  }
0xcf: {  	[dreg:$0x1] =	wrdreg $0xFFFFFFFF  }
0xd0: {  	_ =	task.clear_ibuf [dreg:s22], $0x2FFFF;
	_ =	strace $0x9FFFFFFF  }
0xd1: {  	(tm) =	ssettm $0x7FFFFFFF  }
tec
execute0_lowered:
.L_overlay_start_1:
0x0: {  	(tag) =	ssettag $0x1  }
0x1: {  	s1 =	srdreg.scid  }
0x2: {  	s8 =	rddreg [dreg:$0x0];
	s0 =	stileid.u32  }
0x3: {  	s3 =	rddreg [dreg:$0x1];
	s2 =	simm.s32 $0x0;
	s6 =	sand.u32 $0x1, s1  }
0x4: {  	s4 =	sshll.u32 s0, $0x9;
	s1 =	rddreg [dreg:$0x2];
	s5 =	sshll.u32 s6, $0x8  }
0x5: {  	s7 =	simm.s32 $0x1;
	[smem:$0x7FF] =	sst s2;
	s9 =	sor.u32 s5, s4  }
0x6: {  	_ =	strace $0x8000004A;
	s10 =	ssub.s32 $0x2, s6;
	s4 =	sshrl.u32 s9, $0x3  }
0x7: {  	s6 =	simm.s32 $0x100;
	s4 =	sadd.s32 s3, s4;
	s3 =	simm.s32 $0x2  }
0x8: {  	[tilespmem:s2], [sflag:$0x2] =	stream.linear.gather [hbm4b:s4+s2], $0x100, $0x38;
	[tilespmem:$0x8100] =	vst v63  }
0x9: {  	s5 =	sadd.s32 $0x400000, s8;
	s11 =	sshrl.u32 s10, $0x1;
	_ =	swait.ge [sflag:s3], $0x100  }
0xa: {  	s9 =	sshll.u32 s9, $0x4;
	s31 =	ssub.s32 s10, s11;
	[sflag:s3] =	ssyncset.done $0x0  }
0xb: {  	s8 =	sadd.s32 s9, s8;
	s9 =	smax.u32 s31, $0x1;
	[sflag:s3] =	ssyncadd.s32 $0xFFFFFF00  }
0xc: {  	[tilespmem:s6], [sflag:$0x1] =	stream.indirect.gather [hbm4b:s5+s6], $0x80, s2, s6, $0xb8;
	[tilespmem:$0x8100] =	vst v63  }
0xd: {  	p0 =	sne.s32 s9, $0x1;
	_ =	swait.ge [sflag:s7], $0x8000  }
.Ltmp0:
0xe: {  	[sflag:s7] =	ssyncset.done $0x0;
	(pc) =	sbr.rel @!p0 .LBB2_2-.Ltmp0, $4  }
0xf: {  	s8 =	sadd.s32 $0x600, s8;
	[sflag:s7] =	ssyncadd.s32 $0xFFFF8000  }
0x10: {  	[hbm4b:s8+s2] =	stream.linear.scatter [tilespmem:s6], [sflag:$0x2], $0x8000, $0x38;
	[tilespmem:$0x8100] =	vst v63  }
0x11: {  	_ =	swait.ge [sflag:s3], $0x8000  }
0x12: {  	s9 =	sadd.s32 $0xFFFFFFFF, s9;
	[sflag:s3] =	ssyncset.done $0x0  }
.LBB2_1:
0x13: {  	p0 =	sne.s32 s9, $0x1;
	s9 =	sadd.s32 $0xFFFFFFFF, s9;
	[sflag:s3] =	ssyncadd.s32 $0xFFFF8000  }
0x14: {  	[tilespmem:s2], [sflag:$0x2] =	stream.linear.gather [hbm4b:s4+s2], $0x100, $0x38;
	[tilespmem:$0x8100] =	vst v63  }
0x15: {  	_ =	swait.ge [sflag:s3], $0x100  }
0x16: {  	[sflag:s3] =	ssyncset.done $0x0  }
0x17: {  	[sflag:s3] =	ssyncadd.s32 $0xFFFFFF00  }
0x18: {  	[tilespmem:s6], [sflag:$0x1] =	stream.indirect.gather [hbm4b:s5+s6], $0x80, s2, s6, $0xb8;
	[tilespmem:$0x8100] =	vst v63  }
0x19: {  	_ =	swait.ge [sflag:s7], $0x8000  }
.Ltmp1:
0x1a: {  	[sflag:s7] =	ssyncset.done $0x0;
	(pc) =	sbr.rel @p0 .LBB2_1-.Ltmp1, $4  }
0x1b: {  	[sflag:s7] =	ssyncadd.s32 $0xFFFF8000  }
0x1c: {  	[hbm4b:s8+s2] =	stream.linear.scatter [tilespmem:s6], [sflag:$0x2], $0x8000, $0x38;
	[tilespmem:$0x8100] =	vst v63  }
0x1d: {  	_ =	swait.ge [sflag:s3], $0x8000  }
0x1e: {  	[sflag:s3] =	ssyncset.done $0x0  }
.LBB2_2:
0x1f: {  	[sflag:s3] =	ssyncadd.s32 $0xFFFF8000  }
0x20: {  	_ =	sfence.sel $0x180000  }
0x21: {  	[bflag:$0x0] =	sbarrier.arrive $0xFFFF  }
0x22: {  	p0 =	sne.s32 s0, $0x0;
	_ =	strace $0x9000004A  }
0x23: {  	s0 =	sadd.s32 @!p0 $0x100000, s1;
	[bflag:$0x2] =	sbarrier.arrive $0xFFFF  }
0x24: {  	[sflag:s0] =	ssyncadd.tile.s32 @!p0 $0x1;
	_ =	shalt  }
.Lfunc_end2:
_tile_overlayer_lowered:
.L_overlay_start_2:
0x25: {  	(tag) =	ssettag $0x2  }
0x26: {  	s0 =	rddreg [dreg:$0x0];
	s2 =	stileid.u32  }
0x27: {  	s1 =	rddreg [dreg:$0x1];
	p0 =	sne.s32 s2, $0x0  }
0x28: {  	s3 =	rddreg [dreg:$0x2];
	[bflag:$0x3] =	sbarrier.arrive $0xFFFF;
	s2 =	simm.s32 @!p0 $0x1C02  }
0x29: {  	[timem:s3], [sflag:s2] =	dma.local @!p0 [hbm:s0], s1  }
0x2a: {  	s0 =	simm.s32 @!p0 $0x2  }
0x2b: {  	_ =	swait.ge @!p0 [sflag:s0], s1  }
0x2c: {  	s1 =	ssub.s32 @!p0 $0x0, s1;
	[sflag:s0] =	ssyncset.done @!p0 $0x0  }
0x2d: {  	[sflag:s0] =	ssyncadd.s32 @!p0 s1  }
0x2e: {  	[bflag:$0x3] =	sbarrier.arrive $0xFFFF  }
0x2f: {  	_ =	shalt  }

// kernel: scatter_offload_async_start
scs
__scs_entry_jumppad:
0x0: {  	(pc) =	sbr.rel $0x88, $3  }
0x1: {  	(tag) =	ssettag $0x0;
	lr =	simm.s32 $0x1  }
0x2: {  	[smem:$0x3F9C] =	sst lr;
	_ =	strace $0xD0000000  }
0x3: {  	_ = 	snop  }
0x4: {  	_ = 	snop  }
0x5: {  	_ = 	snop  }
0x6: {  	_ = 	snop  }
0x7: {  	_ = 	snop  }
__scs_overlays_trampoline_lowered:
0x8: {  	[smem:$0x3FAB] =	sst s0  }
0x9: {  	[smem:$0x3FAC] =	sst s1  }
0xa: {  	[smem:$0x3FAD] =	sst s2  }
0xb: {  	[smem:$0x3FAE] =	sst s3  }
0xc: {  	[smem:$0x3FAF] =	sst s4  }
0xd: {  	[smem:$0x3FB0] =	sst s5  }
0xe: {  	[smem:$0x3FB1] =	sst s6  }
0xf: {  	[smem:$0x3FB2] =	sst s7  }
0x10: {  	[smem:$0x3FB3] =	sst s8  }
0x11: {  	[smem:$0x3FB4] =	sst s9;
	s0 =	simm.s32 @!p0 $0x0  }
0x12: {  	s1 =	sld [smem:$0x3F9A];
	s0 =	simm.s32 @p0 $0x1  }
0x13: {  	[smem:$0x3FB5] =	sst s0;
	s0 =	simm.s32 @!p1 $0x0  }
0x14: {  	s2 =	sld [smem:$0x3F99];
	s0 =	simm.s32 @p1 $0x1  }
0x15: {  	[smem:$0x3FB6] =	sst s0;
	s0 =	simm.s32 @!p2 $0x0  }
0x16: {  	s3 =	sld [smem:$0x3FDB];
	s0 =	simm.s32 @p2 $0x1  }
0x17: {  	s4 =	simm.s32 $0x1BF5;
	[smem:$0x3FB8] =	sst s0  }
0x18: {  	s0 =	sld [smem:$0x3F9B];
	_ =	swait.ge [sflag:s4], $0x0  }
0x19: {  	s7 =	sld [smem:$0x3F9C]  }
0x1a: {  	s8 =	sadd.s32 $0xFFFFE003, lr  }
0x1b: {  	s9 =	sadd.s32 $0xFFFFFEF7, lr;
	s5 =	simm.s32 $0xFFFFFFFF;
	p2 =	slt.u32 s8, $0xFFFFF086  }
0x1c: {  	p1 =	slt.u32 s9, $0xF7A;
	s5 =	simm.s32 @!p2 $0x0  }
0x1d: {  	s5 =	simm.s32 @p1 $0x1;
	p0 =	seq.s32 s7, s2  }
0x1e: {  	s7 =	smul.u32 @!p0 $0xF7A, s2;
	p2 =	seq.s32 @!p0 s5, $0x0  }
0x1f: {  	s9 =	smul.u32 $0xF7A, s1;
	s8 =	simm.s32 @!p0 $0x1BF5;
	p2 =	por !p2, p0  }
0x20: {  	[sflag:s8] =	ssyncset.s32 @!p0 $0xFFFFF086;
	s6 =	sadd.s32 @!p0 s3, s7;
	s7 =	simm.s32 @!p0 $0x108  }
0x21: {  	s3 =	sadd.s32 s3, s9;
	s6 =	sadd.s32 @!p0 $0x88, s6;
	s7 =	simm.s32 @p2 $0x1082  }
0x22: {  	[simem:s7], [sflag:s8] =	dma.local @!p0 [hbm:s6], $0xF7A  }
0x23: {  	s9 =	sor.u32 $0xD0000000, s2;
	s6 =	simm.s32 $0x108;
	_ =	swait.ge @!p0 [sflag:s8], $0x0  }
0x24: {  	s3 =	sadd.s32 $0x88, s3;
	s6 =	simm.s32 @!p1 $0x1082;
	[sflag:s4] =	ssyncset.s32 $0xFFFFF086  }
0x25: {  	[simem:s6], [sflag:s4] =	dma.local [hbm:s3], $0xF7A  }
0x26: {  	[smem:$0x3F9C] =	sst s1;
	(tag) =	ssettag s2;
	_ =	strace s9  }
0x27: {  	s1 =	sld [smem:$0x3FAC]  }
0x28: {  	s2 =	sld [smem:$0x3FAD]  }
0x29: {  	s4 =	sld [smem:$0x3FAF]  }
0x2a: {  	p0 =	seq.s32 s5, $0x0;
	s5 =	sld [smem:$0x3FB0]  }
0x2b: {  	s6 =	sld [smem:$0x3FB1]  }
0x2c: {  	s7 =	sld [smem:$0x3FB2]  }
0x2d: {  	s3 =	simm.s32 $0x108;
	s8 =	sld [smem:$0x3FB3]  }
0x2e: {  	s3 =	simm.s32 @!p0 $0x1082;
	s9 =	sld [smem:$0x3FB4]  }
0x2f: {  	lr =	sadd.s32 s0, s3;
	s0 =	sld [smem:$0x3FAB]  }
0x30: {  	s3 =	sld [smem:$0x3FAE]  }
0x31: {  	[smem:$0x3FB7] =	sst s10  }
0x32: {  	s10 =	sld [smem:$0x3FB5];
	_ =	sdelay $0x3  }
0x33: {  	p0 =	seq.s32 s10, $0x1;
	s10 =	sld [smem:$0x3FB7];
	_ =	sdelay $0x3  }
0x34: {  	[smem:$0x3FB7] =	sst s10  }
0x35: {  	s10 =	sld [smem:$0x3FB6];
	_ =	sdelay $0x3  }
0x36: {  	p1 =	seq.s32 s10, $0x1;
	s10 =	sld [smem:$0x3FB7];
	_ =	sdelay $0x3  }
0x37: {  	[smem:$0x3FB7] =	sst s10  }
0x38: {  	s10 =	sld [smem:$0x3FB8]  }
0x39: {  	_ = 	snop;
	(pc) =	sbr.ind lr, $3  }
0x3a: {  	_ = 	snop  }
0x3b: {  	_ = 	snop  }
0x3c: {  	p2 =	seq.s32 s10, $0x1;
	s10 =	sld [smem:$0x3FB7]  }
0x3d: {  	_ =	shalt  }
0x3e: {  	_ =	shalt  }
0x3f: {  	_ =	shalt  }
0x40: {  	_ =	shalt  }
0x41: {  	_ =	shalt  }
0x42: {  	_ =	shalt  }
0x43: {  	_ =	shalt  }
0x44: {  	_ =	shalt  }
0x45: {  	_ =	shalt  }
0x46: {  	_ =	shalt  }
0x47: {  	_ =	shalt  }
0x48: {  	_ =	shalt  }
0x49: {  	_ =	shalt  }
0x4a: {  	_ =	shalt  }
0x4b: {  	_ =	shalt  }
0x4c: {  	_ =	shalt  }
0x4d: {  	_ =	shalt  }
0x4e: {  	_ =	shalt  }
0x4f: {  	_ =	shalt  }
0x50: {  	_ =	shalt  }
0x51: {  	_ =	shalt  }
0x52: {  	_ =	shalt  }
0x53: {  	_ =	shalt  }
0x54: {  	_ =	shalt  }
0x55: {  	_ =	shalt  }
0x56: {  	_ =	shalt  }
0x57: {  	_ =	shalt  }
0x58: {  	_ =	shalt  }
0x59: {  	_ =	shalt  }
0x5a: {  	_ =	shalt  }
0x5b: {  	_ =	shalt  }
0x5c: {  	_ =	shalt  }
0x5d: {  	_ =	shalt  }
0x5e: {  	_ =	shalt  }
0x5f: {  	_ =	shalt  }
0x60: {  	_ =	shalt  }
0x61: {  	_ =	shalt  }
0x62: {  	_ =	shalt  }
0x63: {  	_ =	shalt  }
0x64: {  	_ =	shalt  }
0x65: {  	_ =	shalt  }
0x66: {  	_ =	shalt  }
0x67: {  	_ =	shalt  }
0x68: {  	_ =	shalt  }
0x69: {  	_ =	shalt  }
0x6a: {  	_ =	shalt  }
0x6b: {  	_ =	shalt  }
0x6c: {  	_ =	shalt  }
0x6d: {  	_ =	shalt  }
0x6e: {  	_ =	shalt  }
0x6f: {  	_ =	shalt  }
0x70: {  	_ =	shalt  }
0x71: {  	_ =	shalt  }
0x72: {  	_ =	shalt  }
0x73: {  	_ =	shalt  }
0x74: {  	_ =	shalt  }
0x75: {  	_ =	shalt  }
0x76: {  	_ =	shalt  }
0x77: {  	_ =	shalt  }
0x78: {  	_ =	shalt  }
0x79: {  	_ =	shalt  }
0x7a: {  	_ =	shalt  }
0x7b: {  	_ =	shalt  }
0x7c: {  	_ =	shalt  }
0x7d: {  	_ =	shalt  }
0x7e: {  	_ =	shalt  }
0x7f: {  	_ =	shalt  }
0x80: {  	_ =	shalt  }
0x81: {  	_ =	shalt  }
0x82: {  	_ =	shalt  }
0x83: {  	_ =	shalt  }
0x84: {  	_ =	shalt  }
0x85: {  	_ =	shalt  }
0x86: {  	_ =	shalt  }
0x87: {  	_ =	shalt  }
.Lfunc_end0:
.L_simem_size_0:
called_computation_lowered:
.L_overlay_start_0:
0x88: {  	s0 =	sld [smem:$0x3FD9]  }
0x89: {  	s1 =	sld [smem:$0x3FFE];
	_ =	sdelay $0x3  }
0x8a: {  	s0 =	sadd.s32 s1, s0  }
0x8b: {  	[smem:$0x3FC3] =	sst s0  }
0x8c: {  	_ = 	snop  }
0x8d: {  	(tm) =	ssettm $0x1  }
0x8e: {  	s15 =	sld [smem:$0x3FFB];
	_ =	sdelay $0x3  }
0x8f: {  	_ =	strace s15  }
0x90: {  	s0 =	sld [smem:$0x3FFC];
	_ =	sdelay $0x3  }
0x91: {  	_ =	strace s0  }
0x92: {  	s0 =	sld [smem:$0x3FFD];
	_ =	sdelay $0x3  }
0x93: {  	_ =	strace s0  }
0x94: {  	_ =	strace $0x8FFFFFFF  }
0x95: {  	s16 =	sld [smem:$0x3FDB];
	_ =	sdelay $0x1  }
0x96: {  	s17 =	simm.s32 $_scs_section_size  }
0x97: {  	s2 =	simm.s32 $_size__tile_overlayer_lowered;
	s3 =	simm.s32 $_tile_overlayer_lowered  }
0x98: {  	s20 =	simm.s32 $0x1BFF;
	s19 =	sshll.u32 s3, $0x1;
	s0 =	sadd.s32 s17, s16  }
0x99: {  	s4 =	simm.s32 $0x0;
	s18 =	sshll.u32 s2, $0x1;
	s2 =	sadd.s32 s19, s0  }
0x9a: {  	[timem:s4], [sflag:s20] =	dma.local [hbm:s2], s18  }
0x9b: {  	_ =	swait.ge [sflag:s20], s18  }
0x9c: {  	s1 =	ssub.s32 $0x0, s18;
	[sflag:s20] =	ssyncset.done $0x0  }
0x9d: {  	[sflag:s20] =	ssyncadd.s32 s1;
	_ =	sdelay $0x1  }
0x9e: {  	s21 =	simm.s32 $0x1B8B  }
0x9f: {  	_ =	swait.ge [sflag:s21], $0x1  }
0xa0: {  	[sflag:s21] =	ssyncset.done $0x0  }
0xa1: {  	s23 =	simm.s32 $0x1B8E;
	s22 =	sld [smem:$0x3FFE];
	[sflag:s21] =	ssyncadd.s32 $0xFFFFFFFF  }
0xa2: {  	s24 =	simm.s32 $execute0_lowered;
	[smem:$0x3FD2] =	sst s23  }
0xa3: {  	s2 =	sshll.u32 s24, $0x1;
	_ =	strace $0x80000046;
	[dreg:$0x1] =	wrdreg $0xFFFFFFFF  }
0xa4: {  	s25 =	simm.s32 $_size_execute0_lowered;
	s0 =	sadd.s32 s0, s2;
	[dreg:$0x0] =	wrdreg $0x0  }
0xa5: {  	s2 =	sshll.u32 s25, $0x1;
	[dreg:$0x2] =	wrdreg s0  }
0xa6: {  	[dreg:$0x3] =	wrdreg s2  }
0xa7: {  	[dreg:$0x4] =	wrdreg $0xC0  }
0xa8: {  	_ =	task [dreg:s4], $0x5FFFF  }
0xa9: {  	[dreg:$0x1] =	wrdreg $0xFFFFFFFF  }
0xaa: {  	[dreg:$0x0] =	wrdreg $0x60  }
0xab: {  	[dreg:$0x2] =	wrdreg s22  }
0xac: {  	[dreg:$0x3] =	wrdreg $0x9  }
0xad: {  	_ =	task.clear_ibuf [dreg:s4], $0x4FFFF;
	_ =	strace $0x90000046  }
0xae: {  	s26 =	simm.s32 $0x9;
	_ =	strace $0x80000048  }
0xaf: {  	_ =	swait.ge [sflag:s26], $0x1  }
0xb0: {  	[sflag:s26] =	ssyncadd.s32 $0xFFFFFFFF  }
0xb1: {  	_ =	strace $0x90000048  }
0xb2: {  	_ =	sfence  }
0xb3: {  	s28 =	sld [smem:$0x0];
	_ =	sdelay $0x1  }
0xb4: {  	s29 =	srdreg.scid  }
0xb5: {  	s30 =	sshll.u32 s29, $0xD;
	s31 =	sshrl.u32 s29, $0x2  }
0xb6: {  	s1 =	sand.u32 $0x1, s29;
	s2 =	sand.u32 $0x4000, s30;
	s0 =	sadd.s32 s31, s28  }
0xb7: {  	s1 =	sor.u32 s2, s1;
	s0 =	sshll.u32 s0, $0x11  }
0xb8: {  	s0 =	sor.u32 s0, s1  }
0xb9: {  	s0 =	sadd.s32 $0x8F2B, s0  }
0xba: {  	[sflag:s0] =	ssyncadd.remote.s32 $0x1  }
0xbb: {  	_ =	sfence.sel $0xFFFF  }
0xbc: {  	[dreg:$0x0] =	wrdreg $0xFFFFFFFF;
	(pc) =	sbr.abs _section_cstart, $3  }
0xbd: {  	[dreg:$0x1] =	wrdreg $0xFFFFFFFF  }
0xbe: {  	_ =	task.clear_ibuf [dreg:s4], $0x2FFFF;
	_ =	strace $0x9FFFFFFF  }
0xbf: {  	(tm) =	ssettm $0x7FFFFFFF  }
tec
execute0_lowered:
.L_overlay_start_1:
0x0: {  	(tag) =	ssettag $0x1  }
0x1: {  	s5 =	rddreg [dreg:$0x0]  }
0x2: {  	s0 =	rddreg [dreg:$0x1];
	_ =	strace $0x80000047;
	s6 =	stileid.u32  }
0x3: {  	s3 =	simm.s32 $0x3E;
	s1 =	sadd.s32 $0x200, s5;
	p0 =	sne.s32 s6, $0x0  }
0x4: {  	[sflag:s3] =	ssyncpa.u1 $0x0;
	s4 =	simm.s32 @!p0 $0x1C3E;
	s2 =	simm.s32 @!p0 $0x0  }
0x5: {  	[spmem:s2], [sflag:s4] =	dma.local @!p0 [hbm:s1], $0x200  }
0x6: {  	s4 =	simm.s32 @!p0 $0x3E  }
0x7: {  	_ =	swait.ge @!p0 [sflag:s4], $0x200  }
0x8: {  	[sflag:s4] =	ssyncset.done @!p0 $0x0  }
0x9: {  	[sflag:s4] =	ssyncadd.s32 @!p0 $0xFFFFFE00  }
0xa: {  	s9 =	simm.s32 $0x200;
	s7 =	sadd.s32 $0x400, s5;
	[bflag:$0x0] =	sbarrier.arrive $0xFFFF  }
0xb: {  	s6 =	sshll.u32 s6, $0x5;
	[sflag:s3] =	ssyncpa.u1 $0x1;
	s3 =	simm.s32 $0x1  }
0xc: {  	s8 =	sadd.s32 s5, s6;
	s4 =	simm.s32 $0x2;
	[sflag:s3] =	ssyncpa.u1 $0x0  }
0xd: {  	s5 =	simm.s32 $0x0;
	(ifvalue) =	ssetifvalue $0x1000;
	[sflag:s4] =	ssyncpa.u1 $0x0  }
0xe: {  	[tilespmem:s9], [sflag:$0x2] =	stream.linear.gather [hbm4b:s8+s5], $0x100, $0x38;
	[tilespmem:$0x500] =	vst v63  }
0xf: {  	s23 =	simm.s32 $0x400;
	s6 =	sadd.s32 s7, s6  }
0x10: {  	[tilespmem:s23], [sflag:$0x2] =	stream.linear.gather [hbm4b:s6+s5], $0x100, $0x38;
	[tilespmem:$0x500] =	vst v63  }
0x11: {  	_ =	swait.ge [sflag:s4], $0x200  }
0x12: {  	[sflag:s4] =	ssyncset.done $0x0  }
0x13: {  	[sflag:s4] =	ssyncadd.s32 $0xFFFFFE00  }
0x14: {  	v0 =	vld.msk [tilespmem:s9+$0x0 ss:$0x1], $0xffff;
	_ =	sdelay $0x4  }
0x15: {  	v0 =	vmin.u32 v0, $0x1000;
	_ =	sdelay $0x3  }
0x16: {  	vm0 =	vmmov $0xffff;
	s24 =	simm.s32 $0x210  }
0x17: {  	[spmem:s5] =	stream.indirect_vreg.scatter.add.s32 [tilespmem:s23], [sflag:$0x1], $0x1, v0, vm0, $0x4038;
	[tilespmem:$0x500] =	vst v63  }
0x18: {  	v0 =	vld.msk [tilespmem:s24+$0x0 ss:$0x1], $0xffff;
	_ =	sdelay $0x4  }
0x19: {  	v0 =	vmin.u32 v0, $0x1000;
	_ =	sdelay $0x3  }
0x1a: {  	s25 =	simm.s32 $0x410;
	s26 =	simm.s32 $0x220  }
0x1b: {  	[spmem:s5] =	stream.indirect_vreg.scatter.add.s32 [tilespmem:s25], [sflag:$0x1], $0x1, v0, vm0, $0x4038;
	[tilespmem:$0x500] =	vst v63  }
0x1c: {  	v0 =	vld.msk [tilespmem:s26+$0x0 ss:$0x1], $0xffff;
	_ =	sdelay $0x4  }
0x1d: {  	v0 =	vmin.u32 v0, $0x1000;
	_ =	sdelay $0x3  }
0x1e: {  	s28 =	simm.s32 $0x420;
	s29 =	simm.s32 $0x230  }
0x1f: {  	[spmem:s5] =	stream.indirect_vreg.scatter.add.s32 [tilespmem:s28], [sflag:$0x1], $0x1, v0, vm0, $0x4038;
	[tilespmem:$0x500] =	vst v63  }
0x20: {  	v0 =	vld.msk [tilespmem:s29+$0x0 ss:$0x1], $0xffff;
	_ =	sdelay $0x4  }
0x21: {  	v0 =	vmin.u32 v0, $0x1000;
	_ =	sdelay $0x3  }
0x22: {  	s30 =	simm.s32 $0x430;
	s31 =	simm.s32 $0x240  }
0x23: {  	[spmem:s5] =	stream.indirect_vreg.scatter.add.s32 [tilespmem:s30], [sflag:$0x1], $0x1, v0, vm0, $0x4038;
	[tilespmem:$0x500] =	vst v63  }
0x24: {  	v0 =	vld.msk [tilespmem:s31+$0x0 ss:$0x1], $0xffff;
	_ =	sdelay $0x4  }
0x25: {  	v0 =	vmin.u32 v0, $0x1000;
	_ =	sdelay $0x3  }
0x26: {  	s7 =	simm.s32 $0x440;
	s8 =	simm.s32 $0x250  }
0x27: {  	[spmem:s5] =	stream.indirect_vreg.scatter.add.s32 [tilespmem:s7], [sflag:$0x1], $0x1, v0, vm0, $0x4038;
	[tilespmem:$0x500] =	vst v63  }
0x28: {  	v0 =	vld.msk [tilespmem:s8+$0x0 ss:$0x1], $0xffff;
	_ =	sdelay $0x4  }
0x29: {  	v0 =	vmin.u32 v0, $0x1000;
	_ =	sdelay $0x3  }
0x2a: {  	s10 =	simm.s32 $0x260;
	s9 =	simm.s32 $0x450  }
0x2b: {  	[spmem:s5] =	stream.indirect_vreg.scatter.add.s32 [tilespmem:s9], [sflag:$0x1], $0x1, v0, vm0, $0x4038;
	[tilespmem:$0x500] =	vst v63  }
0x2c: {  	v0 =	vld.msk [tilespmem:s10+$0x0 ss:$0x1], $0xffff;
	_ =	sdelay $0x4  }
0x2d: {  	v0 =	vmin.u32 v0, $0x1000;
	_ =	sdelay $0x3  }
0x2e: {  	s11 =	simm.s32 $0x460;
	s12 =	simm.s32 $0x270  }
0x2f: {  	[spmem:s5] =	stream.indirect_vreg.scatter.add.s32 [tilespmem:s11], [sflag:$0x1], $0x1, v0, vm0, $0x4038;
	[tilespmem:$0x500] =	vst v63  }
0x30: {  	v0 =	vld.msk [tilespmem:s12+$0x0 ss:$0x1], $0xffff;
	_ =	sdelay $0x4  }
0x31: {  	v0 =	vmin.u32 v0, $0x1000;
	_ =	sdelay $0x3  }
0x32: {  	s13 =	simm.s32 $0x470;
	s14 =	simm.s32 $0x280  }
0x33: {  	[spmem:s5] =	stream.indirect_vreg.scatter.add.s32 [tilespmem:s13], [sflag:$0x1], $0x1, v0, vm0, $0x4038;
	[tilespmem:$0x500] =	vst v63  }
0x34: {  	v0 =	vld.msk [tilespmem:s14+$0x0 ss:$0x1], $0xffff;
	_ =	sdelay $0x4  }
0x35: {  	v0 =	vmin.u32 v0, $0x1000;
	_ =	sdelay $0x3  }
0x36: {  	s15 =	simm.s32 $0x480;
	s16 =	simm.s32 $0x290  }
0x37: {  	[spmem:s5] =	stream.indirect_vreg.scatter.add.s32 [tilespmem:s15], [sflag:$0x1], $0x1, v0, vm0, $0x4038;
	[tilespmem:$0x500] =	vst v63  }
0x38: {  	v0 =	vld.msk [tilespmem:s16+$0x0 ss:$0x1], $0xffff;
	_ =	sdelay $0x4  }
0x39: {  	v0 =	vmin.u32 v0, $0x1000;
	_ =	sdelay $0x3  }
0x3a: {  	s17 =	simm.s32 $0x490;
	s18 =	simm.s32 $0x2A0  }
0x3b: {  	[spmem:s5] =	stream.indirect_vreg.scatter.add.s32 [tilespmem:s17], [sflag:$0x1], $0x1, v0, vm0, $0x4038;
	[tilespmem:$0x500] =	vst v63  }
0x3c: {  	v0 =	vld.msk [tilespmem:s18+$0x0 ss:$0x1], $0xffff;
	_ =	sdelay $0x4  }
0x3d: {  	v0 =	vmin.u32 v0, $0x1000;
	_ =	sdelay $0x3  }
0x3e: {  	s19 =	simm.s32 $0x4A0;
	s20 =	simm.s32 $0x2B0  }
0x3f: {  	[spmem:s5] =	stream.indirect_vreg.scatter.add.s32 [tilespmem:s19], [sflag:$0x1], $0x1, v0, vm0, $0x4038;
	[tilespmem:$0x500] =	vst v63  }
0x40: {  	v0 =	vld.msk [tilespmem:s20+$0x0 ss:$0x1], $0xffff;
	_ =	sdelay $0x4  }
0x41: {  	v0 =	vmin.u32 v0, $0x1000;
	_ =	sdelay $0x3  }
0x42: {  	s21 =	simm.s32 $0x4B0;
	s22 =	simm.s32 $0x2C0  }
0x43: {  	[spmem:s5] =	stream.indirect_vreg.scatter.add.s32 [tilespmem:s21], [sflag:$0x1], $0x1, v0, vm0, $0x4038;
	[tilespmem:$0x500] =	vst v63  }
0x44: {  	v0 =	vld.msk [tilespmem:s22+$0x0 ss:$0x1], $0xffff;
	_ =	sdelay $0x4  }
0x45: {  	v0 =	vmin.u32 v0, $0x1000;
	_ =	sdelay $0x3  }
0x46: {  	s23 =	simm.s32 $0x4C0;
	s24 =	simm.s32 $0x2D0  }
0x47: {  	[spmem:s5] =	stream.indirect_vreg.scatter.add.s32 [tilespmem:s23], [sflag:$0x1], $0x1, v0, vm0, $0x4038;
	[tilespmem:$0x500] =	vst v63  }
0x48: {  	v0 =	vld.msk [tilespmem:s24+$0x0 ss:$0x1], $0xffff;
	_ =	sdelay $0x4  }
0x49: {  	v0 =	vmin.u32 v0, $0x1000;
	_ =	sdelay $0x3  }
0x4a: {  	s25 =	simm.s32 $0x4D0;
	s26 =	simm.s32 $0x2E0  }
0x4b: {  	[spmem:s5] =	stream.indirect_vreg.scatter.add.s32 [tilespmem:s25], [sflag:$0x1], $0x1, v0, vm0, $0x4038;
	[tilespmem:$0x500] =	vst v63  }
0x4c: {  	v0 =	vld.msk [tilespmem:s26+$0x0 ss:$0x1], $0xffff;
	_ =	sdelay $0x4  }
0x4d: {  	v0 =	vmin.u32 v0, $0x1000;
	_ =	sdelay $0x3  }
0x4e: {  	s28 =	simm.s32 $0x4E0;
	s29 =	simm.s32 $0x2F0  }
0x4f: {  	[spmem:s5] =	stream.indirect_vreg.scatter.add.s32 [tilespmem:s28], [sflag:$0x1], $0x1, v0, vm0, $0x4038;
	[tilespmem:$0x500] =	vst v63  }
0x50: {  	v0 =	vld.msk [tilespmem:s29+$0x0 ss:$0x1], $0xffff;
	_ =	sdelay $0x4  }
0x51: {  	v0 =	vmin.u32 v0, $0x1000;
	_ =	sdelay $0x3  }
0x52: {  	s30 =	simm.s32 $0x4F0  }
0x53: {  	[spmem:s5] =	stream.indirect_vreg.scatter.add.s32 [tilespmem:s30], [sflag:$0x1], $0x1, v0, vm0, $0x4038;
	[tilespmem:$0x500] =	vst v63  }
0x54: {  	_ =	swait.ge [sflag:s3], $0x100  }
0x55: {  	[sflag:s3] =	ssyncset.done $0x0  }
0x56: {  	[sflag:s3] =	ssyncadd.s32 $0xFFFFFF00  }
0x57: {  	_ =	sfence.sel $0x180000  }
0x58: {  	[bflag:$0x0] =	sbarrier.arrive $0xFFFF  }
0x59: {  	[sflag:s4] =	ssyncpa.u1 $0x1  }
0x5a: {  	[sflag:s3] =	ssyncpa.u1 $0x1  }
0x5b: {  	_ =	sfence.stream.spmem  }
0x5c: {  	s31 =	simm.s32 $0x3D;
	[bflag:$0x0] =	sbarrier.arrive $0xFFFF  }
0x5d: {  	s3 =	simm.s32 @p0 $0x3D;
	[sflag:s31] =	ssyncpa.u1 $0x0  }
0x5e: {  	[sflag:s3] =	ssyncpa.u1 @p0 $0x1  }
0x5f: {  	[bflag:$0x0] =	sbarrier.arrive @p0 $0xFFFF  }
0x60: {  	_ =	strace @p0 $0x90000047  }
0x61: {  	s3 =	simm.s32 @!p0 $0x1C3D;
	[bflag:$0x2] =	sbarrier.arrive @p0 $0xFFFF  }
0x62: {  	[hbm:s1], [sflag:s3] =	dma.local @!p0 [spmem:s2], $0x200  }
0x63: {  	s1 =	simm.s32 @!p0 $0x3D  }
0x64: {  	_ =	swait.ge @!p0 [sflag:s1], $0x200  }
0x65: {  	[sflag:s1] =	ssyncset.done @!p0 $0x0  }
0x66: {  	[sflag:s1] =	ssyncadd.s32 @!p0 $0xFFFFFE00  }
0x67: {  	[sflag:s1] =	ssyncpa.u1 @!p0 $0x1  }
0x68: {  	[bflag:$0x0] =	sbarrier.arrive @!p0 $0xFFFF  }
0x69: {  	_ =	strace @!p0 $0x90000047  }
0x6a: {  	s0 =	sadd.s32 @!p0 $0x100000, s0;
	[bflag:$0x2] =	sbarrier.arrive @!p0 $0xFFFF  }
0x6b: {  	[sflag:s0] =	ssyncadd.tile.s32 @!p0 $0x1;
	_ =	shalt  }
.Lfunc_end2:
_tile_overlayer_lowered:
.L_overlay_start_2:
0x6c: {  	(tag) =	ssettag $0x2  }
0x6d: {  	s0 =	rddreg [dreg:$0x0];
	s2 =	stileid.u32  }
0x6e: {  	s1 =	rddreg [dreg:$0x1];
	p0 =	sne.s32 s2, $0x0  }
0x6f: {  	s3 =	rddreg [dreg:$0x2];
	[bflag:$0x3] =	sbarrier.arrive $0xFFFF;
	s2 =	simm.s32 @!p0 $0x1C01  }
0x70: {  	[timem:s3], [sflag:s2] =	dma.local @!p0 [hbm:s0], s1  }
0x71: {  	s0 =	simm.s32 @!p0 $0x1  }
0x72: {  	_ =	swait.ge @!p0 [sflag:s0], s1  }
0x73: {  	s1 =	ssub.s32 @!p0 $0x0, s1;
	[sflag:s0] =	ssyncset.done @!p0 $0x0  }
0x74: {  	[sflag:s0] =	ssyncadd.s32 @!p0 s1  }
0x75: {  	[bflag:$0x3] =	sbarrier.arrive $0xFFFF  }
0x76: {  	_ =	shalt  }

</sc_bundles>
